<compile_context>
chip_gen: v7x
topology: tpu7x:2x2x1
jax: 0.10.2.dev20260603
libtpu: 0.0.44.dev20260713+nightly
codegen_flags: <defaults>
</compile_context>

<pallas_src>
import functools

import jax
import jax.numpy as jnp
from jax import lax
from jax.experimental import pallas as pl
from jax.experimental.pallas import tpu as pltpu
from jax.experimental.pallas import tpu_sc as plsc

EMBED_DIM = 128
NUM_CORES = 2
NUM_SUBCORES = 16
NUM_WORKERS = NUM_CORES * NUM_SUBCORES
CHUNK = 128


def _make_emb_kernel(total_indices: int):
  per_worker = total_indices // NUM_WORKERS
  n_chunks = per_worker // CHUNK
  assert n_chunks % 2 == 0 and n_chunks >= 4
  mesh = plsc.VectorSubcoreMesh(
      core_axis_name="c", subcore_axis_name="s",
      num_cores=NUM_CORES, num_subcores=NUM_SUBCORES)

  @functools.partial(
      pl.kernel,
      out_type=jax.ShapeDtypeStruct((total_indices, EMBED_DIM), jnp.float32),
      mesh=mesh,
      scratch_types=[
          pltpu.VMEM((n_chunks, CHUNK), jnp.int32),
          pltpu.VMEM((CHUNK, EMBED_DIM), jnp.float32),
          pltpu.VMEM((CHUNK, EMBED_DIM), jnp.float32),
          pltpu.SemaphoreType.DMA,
          pltpu.SemaphoreType.DMA,
      ],
  )
  def emb_kernel(table_hbm, idx_hbm, out_hbm, idx_v, rows_a, rows_b, sem_a,
                 sem_b):
    wid = lax.axis_index("s") * NUM_CORES + lax.axis_index("c")
    base = wid * per_worker
    pltpu.sync_copy(idx_hbm.at[wid], idx_v)

    def gather(j, buf, sem):
      pltpu.async_copy(table_hbm.at[idx_v.at[j]], buf, sem)

    def gather_wait(j, buf, sem):
      pltpu.make_async_copy(table_hbm.at[idx_v.at[j]], buf, sem).wait()

    def write_out(j, buf):
      pltpu.sync_copy(buf, out_hbm.at[pl.ds(base + j * CHUNK, CHUNK)])

    gather(0, rows_a, sem_a)
    gather(1, rows_b, sem_b)

    def body(i, carry):
      j = 2 * i
      gather_wait(j, rows_a, sem_a)
      write_out(j, rows_a)
      gather(j + 2, rows_a, sem_a)
      gather_wait(j + 1, rows_b, sem_b)
      write_out(j + 1, rows_b)
      gather(j + 3, rows_b, sem_b)
      return carry

    lax.fori_loop(0, n_chunks // 2 - 1, body, 0)
    j = n_chunks - 2
    gather_wait(j, rows_a, sem_a)
    write_out(j, rows_a)
    gather_wait(j + 1, rows_b, sem_b)
    write_out(j + 1, rows_b)

  return emb_kernel


def kernel(inputs, table):
  batch, hist = inputs.shape
  total = batch * hist
  idx = inputs.astype(jnp.int32).reshape(
      NUM_WORKERS, total // (NUM_WORKERS * CHUNK), CHUNK)
  out = _make_emb_kernel(total)(table, idx)
  return out.reshape(batch, hist, EMBED_DIM)

# --- scband reference (transcript-rebuilt; emitter-appended) ---
"""Pipeline reference for scband-bert-layer-45629732552706 (READ-ONLY COPY).

The authoritative reference and input builder live on the scoring server;
editing this copy changes nothing except your own understanding.
"""

import jax, jax.numpy as jnp
import numpy as np

VOCAB = 1000000
EMBED_DIM = 128
BATCH = 4096
HIST = 200

def setup_inputs(seed: int = 0) -> dict:
    key = jax.random.key(seed)
    k_idx, k_tab = jax.random.split(key)
    inputs = jax.random.randint(k_idx, (BATCH, HIST), 0, VOCAB, dtype=jnp.int64) if jax.config.jax_enable_x64 else jax.random.randint(k_idx, (BATCH, HIST), 0, VOCAB, dtype=jnp.int32)
    table = jax.random.normal(k_tab, (VOCAB, EMBED_DIM), dtype=jnp.float32) * 0.02
    return {"inputs": inputs, "table": table}

def reference(inputs, table):
    # BertLayer.call: embedded = Embedding(vocab, dim)(inputs)
    embedded_inputs = jnp.take(table, inputs, axis=0)
    return embedded_inputs

if __name__ == "__main__":
    import jax
    _d = setup_inputs()
    print(jax.jit(kernel)(*tuple(_d.values())))

</pallas_src>

<mosaic_0001>
#map = affine_map<(d0, d1) -> (0, 0)>
#map1 = affine_map<(d0, d1) -> (0, 0, 0)>
module attributes {stable_mosaic.version = 14 : i64} {
  func.func @emb_kernel(%arg0: i32, %arg1: i32, %arg2: memref<1000000x128xf32, #tpu.memory_space<hbm>>, %arg3: memref<32x200x128xi32, #tpu.memory_space<hbm>>, %arg4: memref<819200x128xf32, #tpu.memory_space<hbm>>, %arg5: memref<200x128xi32, #tpu.memory_space<vmem>>, %arg6: memref<128x128xf32, #tpu.memory_space<vmem>>, %arg7: memref<128x128xf32, #tpu.memory_space<vmem>>, %arg8: memref<!tpu.dma_semaphore, #tpu.memory_space<semaphore_mem>>, %arg9: memref<!tpu.dma_semaphore, #tpu.memory_space<semaphore_mem>>) attributes {dimension_semantics = [#tpu.dimension_semantics<core_parallel>, #tpu.dimension_semantics<subcore_parallel>], iteration_bounds = array<i64: 2, 16>, scalar_prefetch = 0 : i64, scratch_operands = 5 : i64, tpu.core_type = #tpu.core_type<sc_vector_subcore>, window_params = [{transform_indices = #map}, {transform_indices = #map1}, {transform_indices = #map}]} {
    %mul3A = arith.constant 2 : i32
    %mul3A_0 = arith.muli %arg1, %mul3A : i32
    %add3A = arith.addi %mul3A_0, %arg0 : i32
    %mul3A_1 = arith.constant 25600 : i32
    %mul3A_2 = arith.muli %add3A, %mul3A_1 : i32
    "tpu.region"() ({
      %run_scoped3A = tpu.sem_alloc : memref<!tpu.dma_semaphore, #tpu.memory_space<semaphore_mem>>
      %dma_start3A_38 = arith.constant 0 : i32
      %dma_start3A_39 = arith.constant 0 : i32
      %dma_start3A_40 = tpu.memref_slice %arg3[%add3A, %dma_start3A_38, %dma_start3A_39] : memref<32x200x128xi32, #tpu.memory_space<hbm>> -> memref<1x200x128xi32, #tpu.memory_space<hbm>>
      %dma_start3A_41 = tpu.memref_squeeze %dma_start3A_40 : memref<1x200x128xi32, #tpu.memory_space<hbm>> -> memref<200x128xi32, #tpu.memory_space<hbm>>
      %dma_start3A_42 = arith.constant 0 : i32
      %dma_start3A_43 = arith.constant 0 : i32
      %dma_start3A_44 = tpu.memref_slice %arg3[%add3A, %dma_start3A_42, %dma_start3A_43] : memref<32x200x128xi32, #tpu.memory_space<hbm>> -> memref<1x200x128xi32, #tpu.memory_space<hbm>>
      %dma_start3A_45 = tpu.memref_squeeze %dma_start3A_44 : memref<1x200x128xi32, #tpu.memory_space<hbm>> -> memref<200x128xi32, #tpu.memory_space<hbm>>
      tpu.enqueue_dma source(%dma_start3A_45 : memref<200x128xi32, #tpu.memory_space<hbm>>) target(%arg5 : memref<200x128xi32, #tpu.memory_space<vmem>>) target_semaphore(%run_scoped3A : memref<!tpu.dma_semaphore, #tpu.memory_space<semaphore_mem>>)
      %dma_wait3A_46 = arith.constant 0 : i32
      %dma_wait3A_47 = arith.constant 0 : i32
      %dma_wait3A_48 = tpu.memref_slice %arg3[%add3A, %dma_wait3A_46, %dma_wait3A_47] : memref<32x200x128xi32, #tpu.memory_space<hbm>> -> memref<1x200x128xi32, #tpu.memory_space<hbm>>
      %dma_wait3A_49 = tpu.memref_squeeze %dma_wait3A_48 : memref<1x200x128xi32, #tpu.memory_space<hbm>> -> memref<200x128xi32, #tpu.memory_space<hbm>>
      %dma_wait3A_50 = arith.constant 0 : i32
      %dma_wait3A_51 = arith.constant 0 : i32
      %dma_wait3A_52 = tpu.memref_slice %arg3[%add3A, %dma_wait3A_50, %dma_wait3A_51] : memref<32x200x128xi32, #tpu.memory_space<hbm>> -> memref<1x200x128xi32, #tpu.memory_space<hbm>>
      %dma_wait3A_53 = tpu.memref_squeeze %dma_wait3A_52 : memref<1x200x128xi32, #tpu.memory_space<hbm>> -> memref<200x128xi32, #tpu.memory_space<hbm>>
      tpu.wait_dma2 semaphore(%run_scoped3A : memref<!tpu.dma_semaphore, #tpu.memory_space<semaphore_mem>>) src(%dma_wait3A_53 : memref<200x128xi32, #tpu.memory_space<hbm>>) dst(%arg5 : memref<200x128xi32, #tpu.memory_space<vmem>>)
      tpu.yield
    }) : () -> ()
    %dma_start3A = arith.constant 0 : i32
    %dma_start3A_3 = arith.constant 0 : i32
    %dma_start3A_4 = tpu.memref_slice %arg5[%dma_start3A, %dma_start3A_3] : memref<200x128xi32, #tpu.memory_space<vmem>> -> memref<1x128xi32, #tpu.memory_space<vmem>>
    %dma_start3A_5 = tpu.memref_squeeze %dma_start3A_4 : memref<1x128xi32, #tpu.memory_space<vmem>> -> memref<128xi32, #tpu.memory_space<vmem>>
    %dma_start3A_6 = arith.constant 0 : i32
    %dma_start3A_7 = arith.constant 0 : i32
    %dma_start3A_8 = tpu.memref_slice %arg2[%dma_start3A_6, %dma_start3A_7] : memref<1000000x128xf32, #tpu.memory_space<hbm>> -> memref<1000000x128xf32, #tpu.memory_space<hbm>>
    tpu.enqueue_indirect_dma source(%dma_start3A_8 : memref<1000000x128xf32, #tpu.memory_space<hbm>>) target(%arg6 : memref<128x128xf32, #tpu.memory_space<vmem>>) offsets(%dma_start3A_5 : memref<128xi32, #tpu.memory_space<vmem>>) semaphore(%arg8 : memref<!tpu.dma_semaphore, #tpu.memory_space<semaphore_mem>>)
    %dma_start3A_9 = arith.constant 1 : i32
    %dma_start3A_10 = arith.constant 0 : i32
    %dma_start3A_11 = tpu.memref_slice %arg5[%dma_start3A_9, %dma_start3A_10] : memref<200x128xi32, #tpu.memory_space<vmem>> -> memref<1x128xi32, #tpu.memory_space<vmem>>
    %dma_start3A_12 = tpu.memref_squeeze %dma_start3A_11 : memref<1x128xi32, #tpu.memory_space<vmem>> -> memref<128xi32, #tpu.memory_space<vmem>>
    %dma_start3A_13 = arith.constant 0 : i32
    %dma_start3A_14 = arith.constant 0 : i32
    %dma_start3A_15 = tpu.memref_slice %arg2[%dma_start3A_13, %dma_start3A_14] : memref<1000000x128xf32, #tpu.memory_space<hbm>> -> memref<1000000x128xf32, #tpu.memory_space<hbm>>
    tpu.enqueue_indirect_dma source(%dma_start3A_15 : memref<1000000x128xf32, #tpu.memory_space<hbm>>) target(%arg7 : memref<128x128xf32, #tpu.memory_space<vmem>>) offsets(%dma_start3A_12 : memref<128xi32, #tpu.memory_space<vmem>>) semaphore(%arg9 : memref<!tpu.dma_semaphore, #tpu.memory_space<semaphore_mem>>)
    %scan3A = arith.constant 0 : i32
    %scan3A_16 = arith.constant 0 : i32
    %scan3A_17 = arith.constant 99 : i32
    %scan3A_18 = arith.addi %scan3A_16, %scan3A_17 : i32
    %scan3A_19 = arith.constant 1 : i32
    scf.for %scan3A_38 = %scan3A_16 to %scan3A_18 step %scan3A_19  : i32 {
      %mul3A_39 = arith.constant 2 : i32
      %mul3A_40 = arith.muli %mul3A_39, %scan3A_38 : i32
      %dma_wait3A_41 = arith.constant 0 : i32
      %dma_wait3A_42 = tpu.memref_slice %arg5[%mul3A_40, %dma_wait3A_41] : memref<200x128xi32, #tpu.memory_space<vmem>> -> memref<1x128xi32, #tpu.memory_space<vmem>>
      %dma_wait3A_43 = tpu.memref_squeeze %dma_wait3A_42 : memref<1x128xi32, #tpu.memory_space<vmem>> -> memref<128xi32, #tpu.memory_space<vmem>>
      %dma_wait3A_44 = arith.constant 0 : i32
      %dma_wait3A_45 = arith.constant 0 : i32
      %dma_wait3A_46 = tpu.memref_slice %arg2[%dma_wait3A_44, %dma_wait3A_45] : memref<1000000x128xf32, #tpu.memory_space<hbm>> -> memref<1000000x128xf32, #tpu.memory_space<hbm>>
      tpu.wait_indirect_dma semaphore(%arg8 : memref<!tpu.dma_semaphore, #tpu.memory_space<semaphore_mem>>) src(%dma_wait3A_46 : memref<1000000x128xf32, #tpu.memory_space<hbm>>) dst(%arg6 : memref<128x128xf32, #tpu.memory_space<vmem>>)
      %mul3A_47 = arith.constant 128 : i32
      %mul3A_48 = arith.muli %mul3A_40, %mul3A_47 : i32
      %add3A_49 = arith.addi %mul3A_2, %mul3A_48 : i32
      "tpu.region"() ({
        %run_scoped3A = tpu.sem_alloc : memref<!tpu.dma_semaphore, #tpu.memory_space<semaphore_mem>>
        %dma_start3A_79 = arith.constant 0 : i32
        %dma_start3A_80 = tpu.memref_slice %arg4[%add3A_49, %dma_start3A_79] : memref<819200x128xf32, #tpu.memory_space<hbm>> -> memref<128x128xf32, #tpu.memory_space<hbm>>
        %dma_start3A_81 = arith.constant 0 : i32
        %dma_start3A_82 = tpu.memref_slice %arg4[%add3A_49, %dma_start3A_81] : memref<819200x128xf32, #tpu.memory_space<hbm>> -> memref<128x128xf32, #tpu.memory_space<hbm>>
        tpu.enqueue_dma source(%arg6 : memref<128x128xf32, #tpu.memory_space<vmem>>) target(%dma_start3A_82 : memref<128x128xf32, #tpu.memory_space<hbm>>) target_semaphore(%run_scoped3A : memref<!tpu.dma_semaphore, #tpu.memory_space<semaphore_mem>>)
        %dma_wait3A_83 = arith.constant 0 : i32
        %dma_wait3A_84 = tpu.memref_slice %arg4[%add3A_49, %dma_wait3A_83] : memref<819200x128xf32, #tpu.memory_space<hbm>> -> memref<128x128xf32, #tpu.memory_space<hbm>>
        %dma_wait3A_85 = arith.constant 0 : i32
        %dma_wait3A_86 = tpu.memref_slice %arg4[%add3A_49, %dma_wait3A_85] : memref<819200x128xf32, #tpu.memory_space<hbm>> -> memref<128x128xf32, #tpu.memory_space<hbm>>
        tpu.wait_dma2 semaphore(%run_scoped3A : memref<!tpu.dma_semaphore, #tpu.memory_space<semaphore_mem>>) src(%arg6 : memref<128x128xf32, #tpu.memory_space<vmem>>) dst(%dma_wait3A_86 : memref<128x128xf32, #tpu.memory_space<hbm>>)
        tpu.yield
      }) : () -> ()
      %add3A_50 = arith.constant 2 : i32
      %add3A_51 = arith.addi %mul3A_40, %add3A_50 : i32
      %dma_start3A_52 = arith.constant 0 : i32
      %dma_start3A_53 = tpu.memref_slice %arg5[%add3A_51, %dma_start3A_52] : memref<200x128xi32, #tpu.memory_space<vmem>> -> memref<1x128xi32, #tpu.memory_space<vmem>>
      %dma_start3A_54 = tpu.memref_squeeze %dma_start3A_53 : memref<1x128xi32, #tpu.memory_space<vmem>> -> memref<128xi32, #tpu.memory_space<vmem>>
      %dma_start3A_55 = arith.constant 0 : i32
      %dma_start3A_56 = arith.constant 0 : i32
      %dma_start3A_57 = tpu.memref_slice %arg2[%dma_start3A_55, %dma_start3A_56] : memref<1000000x128xf32, #tpu.memory_space<hbm>> -> memref<1000000x128xf32, #tpu.memory_space<hbm>>
      tpu.enqueue_indirect_dma source(%dma_start3A_57 : memref<1000000x128xf32, #tpu.memory_space<hbm>>) target(%arg6 : memref<128x128xf32, #tpu.memory_space<vmem>>) offsets(%dma_start3A_54 : memref<128xi32, #tpu.memory_space<vmem>>) semaphore(%arg8 : memref<!tpu.dma_semaphore, #tpu.memory_space<semaphore_mem>>)
      %add3A_58 = arith.constant 1 : i32
      %add3A_59 = arith.addi %mul3A_40, %add3A_58 : i32
      %dma_wait3A_60 = arith.constant 0 : i32
      %dma_wait3A_61 = tpu.memref_slice %arg5[%add3A_59, %dma_wait3A_60] : memref<200x128xi32, #tpu.memory_space<vmem>> -> memref<1x128xi32, #tpu.memory_space<vmem>>
      %dma_wait3A_62 = tpu.memref_squeeze %dma_wait3A_61 : memref<1x128xi32, #tpu.memory_space<vmem>> -> memref<128xi32, #tpu.memory_space<vmem>>
      %dma_wait3A_63 = arith.constant 0 : i32
      %dma_wait3A_64 = arith.constant 0 : i32
      %dma_wait3A_65 = tpu.memref_slice %arg2[%dma_wait3A_63, %dma_wait3A_64] : memref<1000000x128xf32, #tpu.memory_space<hbm>> -> memref<1000000x128xf32, #tpu.memory_space<hbm>>
      tpu.wait_indirect_dma semaphore(%arg9 : memref<!tpu.dma_semaphore, #tpu.memory_space<semaphore_mem>>) src(%dma_wait3A_65 : memref<1000000x128xf32, #tpu.memory_space<hbm>>) dst(%arg7 : memref<128x128xf32, #tpu.memory_space<vmem>>)
      %add3A_66 = arith.constant 1 : i32
      %add3A_67 = arith.addi %mul3A_40, %add3A_66 : i32
      %mul3A_68 = arith.constant 128 : i32
      %mul3A_69 = arith.muli %add3A_67, %mul3A_68 : i32
      %add3A_70 = arith.addi %mul3A_2, %mul3A_69 : i32
      "tpu.region"() ({
        %run_scoped3A = tpu.sem_alloc : memref<!tpu.dma_semaphore, #tpu.memory_space<semaphore_mem>>
        %dma_start3A_79 = arith.constant 0 : i32
        %dma_start3A_80 = tpu.memref_slice %arg4[%add3A_70, %dma_start3A_79] : memref<819200x128xf32, #tpu.memory_space<hbm>> -> memref<128x128xf32, #tpu.memory_space<hbm>>
        %dma_start3A_81 = arith.constant 0 : i32
        %dma_start3A_82 = tpu.memref_slice %arg4[%add3A_70, %dma_start3A_81] : memref<819200x128xf32, #tpu.memory_space<hbm>> -> memref<128x128xf32, #tpu.memory_space<hbm>>
        tpu.enqueue_dma source(%arg7 : memref<128x128xf32, #tpu.memory_space<vmem>>) target(%dma_start3A_82 : memref<128x128xf32, #tpu.memory_space<hbm>>) target_semaphore(%run_scoped3A : memref<!tpu.dma_semaphore, #tpu.memory_space<semaphore_mem>>)
        %dma_wait3A_83 = arith.constant 0 : i32
        %dma_wait3A_84 = tpu.memref_slice %arg4[%add3A_70, %dma_wait3A_83] : memref<819200x128xf32, #tpu.memory_space<hbm>> -> memref<128x128xf32, #tpu.memory_space<hbm>>
        %dma_wait3A_85 = arith.constant 0 : i32
        %dma_wait3A_86 = tpu.memref_slice %arg4[%add3A_70, %dma_wait3A_85] : memref<819200x128xf32, #tpu.memory_space<hbm>> -> memref<128x128xf32, #tpu.memory_space<hbm>>
        tpu.wait_dma2 semaphore(%run_scoped3A : memref<!tpu.dma_semaphore, #tpu.memory_space<semaphore_mem>>) src(%arg7 : memref<128x128xf32, #tpu.memory_space<vmem>>) dst(%dma_wait3A_86 : memref<128x128xf32, #tpu.memory_space<hbm>>)
        tpu.yield
      }) : () -> ()
      %add3A_71 = arith.constant 3 : i32
      %add3A_72 = arith.addi %mul3A_40, %add3A_71 : i32
      %dma_start3A_73 = arith.constant 0 : i32
      %dma_start3A_74 = tpu.memref_slice %arg5[%add3A_72, %dma_start3A_73] : memref<200x128xi32, #tpu.memory_space<vmem>> -> memref<1x128xi32, #tpu.memory_space<vmem>>
      %dma_start3A_75 = tpu.memref_squeeze %dma_start3A_74 : memref<1x128xi32, #tpu.memory_space<vmem>> -> memref<128xi32, #tpu.memory_space<vmem>>
      %dma_start3A_76 = arith.constant 0 : i32
      %dma_start3A_77 = arith.constant 0 : i32
      %dma_start3A_78 = tpu.memref_slice %arg2[%dma_start3A_76, %dma_start3A_77] : memref<1000000x128xf32, #tpu.memory_space<hbm>> -> memref<1000000x128xf32, #tpu.memory_space<hbm>>
      tpu.enqueue_indirect_dma source(%dma_start3A_78 : memref<1000000x128xf32, #tpu.memory_space<hbm>>) target(%arg7 : memref<128x128xf32, #tpu.memory_space<vmem>>) offsets(%dma_start3A_75 : memref<128xi32, #tpu.memory_space<vmem>>) semaphore(%arg9 : memref<!tpu.dma_semaphore, #tpu.memory_space<semaphore_mem>>)
    }
    %scan3A_20 = arith.constant 99 : i32
    %dma_wait3A = arith.constant 198 : i32
    %dma_wait3A_21 = arith.constant 0 : i32
    %dma_wait3A_22 = tpu.memref_slice %arg5[%dma_wait3A, %dma_wait3A_21] : memref<200x128xi32, #tpu.memory_space<vmem>> -> memref<1x128xi32, #tpu.memory_space<vmem>>
    %dma_wait3A_23 = tpu.memref_squeeze %dma_wait3A_22 : memref<1x128xi32, #tpu.memory_space<vmem>> -> memref<128xi32, #tpu.memory_space<vmem>>
    %dma_wait3A_24 = arith.constant 0 : i32
    %dma_wait3A_25 = arith.constant 0 : i32
    %dma_wait3A_26 = tpu.memref_slice %arg2[%dma_wait3A_24, %dma_wait3A_25] : memref<1000000x128xf32, #tpu.memory_space<hbm>> -> memref<1000000x128xf32, #tpu.memory_space<hbm>>
    tpu.wait_indirect_dma semaphore(%arg8 : memref<!tpu.dma_semaphore, #tpu.memory_space<semaphore_mem>>) src(%dma_wait3A_26 : memref<1000000x128xf32, #tpu.memory_space<hbm>>) dst(%arg6 : memref<128x128xf32, #tpu.memory_space<vmem>>)
    %add3A_27 = arith.constant 25344 : i32
    %add3A_28 = arith.addi %mul3A_2, %add3A_27 : i32
    "tpu.region"() ({
      %run_scoped3A = tpu.sem_alloc : memref<!tpu.dma_semaphore, #tpu.memory_space<semaphore_mem>>
      %dma_start3A_38 = arith.constant 0 : i32
      %dma_start3A_39 = tpu.memref_slice %arg4[%add3A_28, %dma_start3A_38] : memref<819200x128xf32, #tpu.memory_space<hbm>> -> memref<128x128xf32, #tpu.memory_space<hbm>>
      %dma_start3A_40 = arith.constant 0 : i32
      %dma_start3A_41 = tpu.memref_slice %arg4[%add3A_28, %dma_start3A_40] : memref<819200x128xf32, #tpu.memory_space<hbm>> -> memref<128x128xf32, #tpu.memory_space<hbm>>
      tpu.enqueue_dma source(%arg6 : memref<128x128xf32, #tpu.memory_space<vmem>>) target(%dma_start3A_41 : memref<128x128xf32, #tpu.memory_space<hbm>>) target_semaphore(%run_scoped3A : memref<!tpu.dma_semaphore, #tpu.memory_space<semaphore_mem>>)
      %dma_wait3A_42 = arith.constant 0 : i32
      %dma_wait3A_43 = tpu.memref_slice %arg4[%add3A_28, %dma_wait3A_42] : memref<819200x128xf32, #tpu.memory_space<hbm>> -> memref<128x128xf32, #tpu.memory_space<hbm>>
      %dma_wait3A_44 = arith.constant 0 : i32
      %dma_wait3A_45 = tpu.memref_slice %arg4[%add3A_28, %dma_wait3A_44] : memref<819200x128xf32, #tpu.memory_space<hbm>> -> memref<128x128xf32, #tpu.memory_space<hbm>>
      tpu.wait_dma2 semaphore(%run_scoped3A : memref<!tpu.dma_semaphore, #tpu.memory_space<semaphore_mem>>) src(%arg6 : memref<128x128xf32, #tpu.memory_space<vmem>>) dst(%dma_wait3A_45 : memref<128x128xf32, #tpu.memory_space<hbm>>)
      tpu.yield
    }) : () -> ()
    %dma_wait3A_29 = arith.constant 199 : i32
    %dma_wait3A_30 = arith.constant 0 : i32
    %dma_wait3A_31 = tpu.memref_slice %arg5[%dma_wait3A_29, %dma_wait3A_30] : memref<200x128xi32, #tpu.memory_space<vmem>> -> memref<1x128xi32, #tpu.memory_space<vmem>>
    %dma_wait3A_32 = tpu.memref_squeeze %dma_wait3A_31 : memref<1x128xi32, #tpu.memory_space<vmem>> -> memref<128xi32, #tpu.memory_space<vmem>>
    %dma_wait3A_33 = arith.constant 0 : i32
    %dma_wait3A_34 = arith.constant 0 : i32
    %dma_wait3A_35 = tpu.memref_slice %arg2[%dma_wait3A_33, %dma_wait3A_34] : memref<1000000x128xf32, #tpu.memory_space<hbm>> -> memref<1000000x128xf32, #tpu.memory_space<hbm>>
    tpu.wait_indirect_dma semaphore(%arg9 : memref<!tpu.dma_semaphore, #tpu.memory_space<semaphore_mem>>) src(%dma_wait3A_35 : memref<1000000x128xf32, #tpu.memory_space<hbm>>) dst(%arg7 : memref<128x128xf32, #tpu.memory_space<vmem>>)
    %add3A_36 = arith.constant 25472 : i32
    %add3A_37 = arith.addi %mul3A_2, %add3A_36 : i32
    "tpu.region"() ({
      %run_scoped3A = tpu.sem_alloc : memref<!tpu.dma_semaphore, #tpu.memory_space<semaphore_mem>>
      %dma_start3A_38 = arith.constant 0 : i32
      %dma_start3A_39 = tpu.memref_slice %arg4[%add3A_37, %dma_start3A_38] : memref<819200x128xf32, #tpu.memory_space<hbm>> -> memref<128x128xf32, #tpu.memory_space<hbm>>
      %dma_start3A_40 = arith.constant 0 : i32
      %dma_start3A_41 = tpu.memref_slice %arg4[%add3A_37, %dma_start3A_40] : memref<819200x128xf32, #tpu.memory_space<hbm>> -> memref<128x128xf32, #tpu.memory_space<hbm>>
      tpu.enqueue_dma source(%arg7 : memref<128x128xf32, #tpu.memory_space<vmem>>) target(%dma_start3A_41 : memref<128x128xf32, #tpu.memory_space<hbm>>) target_semaphore(%run_scoped3A : memref<!tpu.dma_semaphore, #tpu.memory_space<semaphore_mem>>)
      %dma_wait3A_42 = arith.constant 0 : i32
      %dma_wait3A_43 = tpu.memref_slice %arg4[%add3A_37, %dma_wait3A_42] : memref<819200x128xf32, #tpu.memory_space<hbm>> -> memref<128x128xf32, #tpu.memory_space<hbm>>
      %dma_wait3A_44 = arith.constant 0 : i32
      %dma_wait3A_45 = tpu.memref_slice %arg4[%add3A_37, %dma_wait3A_44] : memref<819200x128xf32, #tpu.memory_space<hbm>> -> memref<128x128xf32, #tpu.memory_space<hbm>>
      tpu.wait_dma2 semaphore(%run_scoped3A : memref<!tpu.dma_semaphore, #tpu.memory_space<semaphore_mem>>) src(%arg7 : memref<128x128xf32, #tpu.memory_space<vmem>>) dst(%dma_wait3A_45 : memref<128x128xf32, #tpu.memory_space<hbm>>)
      tpu.yield
    }) : () -> ()
    return
  }
}

</mosaic_0001>

<sc_bundles>
// kernel: kernel.3.cloned.1.call-start
scs
__scs_entry_jumppad:
0x0: {  	(pc) =	sbr.rel $0x88, $3  }
0x1: {  	(tag) =	ssettag $0x0;
	lr =	simm.s32 $0x1  }
0x2: {  	[smem:$0x3F9F] =	sst lr;
	_ =	strace $0xD0000000  }
0x3: {  	_ = 	snop  }
0x4: {  	_ = 	snop  }
0x5: {  	_ = 	snop  }
0x6: {  	_ = 	snop  }
0x7: {  	_ = 	snop  }
__scs_overlays_trampoline_lowered:
0x8: {  	[smem:$0x3FAE] =	sst s0  }
0x9: {  	[smem:$0x3FAF] =	sst s1  }
0xa: {  	[smem:$0x3FB0] =	sst s2  }
0xb: {  	[smem:$0x3FB1] =	sst s3  }
0xc: {  	[smem:$0x3FB2] =	sst s4  }
0xd: {  	[smem:$0x3FB3] =	sst s5  }
0xe: {  	[smem:$0x3FB4] =	sst s6  }
0xf: {  	[smem:$0x3FB5] =	sst s7  }
0x10: {  	[smem:$0x3FB6] =	sst s8  }
0x11: {  	[smem:$0x3FB7] =	sst s9;
	s0 =	simm.s32 @!p0 $0x0  }
0x12: {  	s1 =	sld [smem:$0x3F9D];
	s0 =	simm.s32 @p0 $0x1  }
0x13: {  	[smem:$0x3FB8] =	sst s0;
	s0 =	simm.s32 @!p1 $0x0  }
0x14: {  	s2 =	sld [smem:$0x3F9C];
	s0 =	simm.s32 @p1 $0x1  }
0x15: {  	[smem:$0x3FB9] =	sst s0;
	s0 =	simm.s32 @!p2 $0x0  }
0x16: {  	s3 =	sld [smem:$0x3FDB];
	s0 =	simm.s32 @p2 $0x1  }
0x17: {  	s4 =	simm.s32 $0x1BF5;
	[smem:$0x3FBB] =	sst s0  }
0x18: {  	s0 =	sld [smem:$0x3F9E];
	_ =	swait.ge [sflag:s4], $0x0  }
0x19: {  	s7 =	sld [smem:$0x3F9F]  }
0x1a: {  	s8 =	sadd.s32 $0xFFFFE003, lr  }
0x1b: {  	s9 =	sadd.s32 $0xFFFFFEF7, lr;
	s5 =	simm.s32 $0xFFFFFFFF;
	p2 =	slt.u32 s8, $0xFFFFF086  }
0x1c: {  	p1 =	slt.u32 s9, $0xF7A;
	s5 =	simm.s32 @!p2 $0x0  }
0x1d: {  	s5 =	simm.s32 @p1 $0x1;
	p0 =	seq.s32 s7, s2  }
0x1e: {  	s7 =	smul.u32 @!p0 $0xF7A, s2;
	p2 =	seq.s32 @!p0 s5, $0x0  }
0x1f: {  	s9 =	smul.u32 $0xF7A, s1;
	s8 =	simm.s32 @!p0 $0x1BF5;
	p2 =	por !p2, p0  }
0x20: {  	[sflag:s8] =	ssyncset.s32 @!p0 $0xFFFFF086;
	s6 =	sadd.s32 @!p0 s3, s7;
	s7 =	simm.s32 @!p0 $0x108  }
0x21: {  	s3 =	sadd.s32 s3, s9;
	s6 =	sadd.s32 @!p0 $0x88, s6;
	s7 =	simm.s32 @p2 $0x1082  }
0x22: {  	[simem:s7], [sflag:s8] =	dma.local @!p0 [hbm:s6], $0xF7A  }
0x23: {  	s9 =	sor.u32 $0xD0000000, s2;
	s6 =	simm.s32 $0x108;
	_ =	swait.ge @!p0 [sflag:s8], $0x0  }
0x24: {  	s3 =	sadd.s32 $0x88, s3;
	s6 =	simm.s32 @!p1 $0x1082;
	[sflag:s4] =	ssyncset.s32 $0xFFFFF086  }
0x25: {  	[simem:s6], [sflag:s4] =	dma.local [hbm:s3], $0xF7A  }
0x26: {  	[smem:$0x3F9F] =	sst s1;
	(tag) =	ssettag s2;
	_ =	strace s9  }
0x27: {  	s1 =	sld [smem:$0x3FAF]  }
0x28: {  	s2 =	sld [smem:$0x3FB0]  }
0x29: {  	s4 =	sld [smem:$0x3FB2]  }
0x2a: {  	p0 =	seq.s32 s5, $0x0;
	s5 =	sld [smem:$0x3FB3]  }
0x2b: {  	s6 =	sld [smem:$0x3FB4]  }
0x2c: {  	s7 =	sld [smem:$0x3FB5]  }
0x2d: {  	s3 =	simm.s32 $0x108;
	s8 =	sld [smem:$0x3FB6]  }
0x2e: {  	s3 =	simm.s32 @!p0 $0x1082;
	s9 =	sld [smem:$0x3FB7]  }
0x2f: {  	lr =	sadd.s32 s0, s3;
	s0 =	sld [smem:$0x3FAE]  }
0x30: {  	s3 =	sld [smem:$0x3FB1]  }
0x31: {  	[smem:$0x3FBA] =	sst s10  }
0x32: {  	s10 =	sld [smem:$0x3FB8];
	_ =	sdelay $0x3  }
0x33: {  	p0 =	seq.s32 s10, $0x1;
	s10 =	sld [smem:$0x3FBA];
	_ =	sdelay $0x3  }
0x34: {  	[smem:$0x3FBA] =	sst s10  }
0x35: {  	s10 =	sld [smem:$0x3FB9];
	_ =	sdelay $0x3  }
0x36: {  	p1 =	seq.s32 s10, $0x1;
	s10 =	sld [smem:$0x3FBA];
	_ =	sdelay $0x3  }
0x37: {  	[smem:$0x3FBA] =	sst s10  }
0x38: {  	s10 =	sld [smem:$0x3FBB]  }
0x39: {  	_ = 	snop;
	(pc) =	sbr.ind lr, $3  }
0x3a: {  	_ = 	snop  }
0x3b: {  	_ = 	snop  }
0x3c: {  	p2 =	seq.s32 s10, $0x1;
	s10 =	sld [smem:$0x3FBA]  }
0x3d: {  	_ =	shalt  }
0x3e: {  	_ =	shalt  }
0x3f: {  	_ =	shalt  }
0x40: {  	_ =	shalt  }
0x41: {  	_ =	shalt  }
0x42: {  	_ =	shalt  }
0x43: {  	_ =	shalt  }
0x44: {  	_ =	shalt  }
0x45: {  	_ =	shalt  }
0x46: {  	_ =	shalt  }
0x47: {  	_ =	shalt  }
0x48: {  	_ =	shalt  }
0x49: {  	_ =	shalt  }
0x4a: {  	_ =	shalt  }
0x4b: {  	_ =	shalt  }
0x4c: {  	_ =	shalt  }
0x4d: {  	_ =	shalt  }
0x4e: {  	_ =	shalt  }
0x4f: {  	_ =	shalt  }
0x50: {  	_ =	shalt  }
0x51: {  	_ =	shalt  }
0x52: {  	_ =	shalt  }
0x53: {  	_ =	shalt  }
0x54: {  	_ =	shalt  }
0x55: {  	_ =	shalt  }
0x56: {  	_ =	shalt  }
0x57: {  	_ =	shalt  }
0x58: {  	_ =	shalt  }
0x59: {  	_ =	shalt  }
0x5a: {  	_ =	shalt  }
0x5b: {  	_ =	shalt  }
0x5c: {  	_ =	shalt  }
0x5d: {  	_ =	shalt  }
0x5e: {  	_ =	shalt  }
0x5f: {  	_ =	shalt  }
0x60: {  	_ =	shalt  }
0x61: {  	_ =	shalt  }
0x62: {  	_ =	shalt  }
0x63: {  	_ =	shalt  }
0x64: {  	_ =	shalt  }
0x65: {  	_ =	shalt  }
0x66: {  	_ =	shalt  }
0x67: {  	_ =	shalt  }
0x68: {  	_ =	shalt  }
0x69: {  	_ =	shalt  }
0x6a: {  	_ =	shalt  }
0x6b: {  	_ =	shalt  }
0x6c: {  	_ =	shalt  }
0x6d: {  	_ =	shalt  }
0x6e: {  	_ =	shalt  }
0x6f: {  	_ =	shalt  }
0x70: {  	_ =	shalt  }
0x71: {  	_ =	shalt  }
0x72: {  	_ =	shalt  }
0x73: {  	_ =	shalt  }
0x74: {  	_ =	shalt  }
0x75: {  	_ =	shalt  }
0x76: {  	_ =	shalt  }
0x77: {  	_ =	shalt  }
0x78: {  	_ =	shalt  }
0x79: {  	_ =	shalt  }
0x7a: {  	_ =	shalt  }
0x7b: {  	_ =	shalt  }
0x7c: {  	_ =	shalt  }
0x7d: {  	_ =	shalt  }
0x7e: {  	_ =	shalt  }
0x7f: {  	_ =	shalt  }
0x80: {  	_ =	shalt  }
0x81: {  	_ =	shalt  }
0x82: {  	_ =	shalt  }
0x83: {  	_ =	shalt  }
0x84: {  	_ =	shalt  }
0x85: {  	_ =	shalt  }
0x86: {  	_ =	shalt  }
0x87: {  	_ =	shalt  }
.Lfunc_end0:
.L_simem_size_0:
called_computation_lowered:
.L_overlay_start_0:
0x88: {  	s2 =	sld [smem:$0x3FD9]  }
0x89: {  	s3 =	sld [smem:$0x3FFE];
	_ =	sdelay $0x1  }
0x8a: {  	s1 =	srdreg.scid  }
0x8b: {  	s0 =	sand.u32 $0x1, s1  }
0x8c: {  	s17 =	sshll.u32 s0, $0xA;
	s2 =	sadd.s32 s3, s2  }
0x8d: {  	s2 =	sadd.s32 s2, s17  }
0x8e: {  	[smem:$0x3FC6] =	sst s2  }
0x8f: {  	_ = 	snop  }
0x90: {  	s2 =	sld [smem:$0x3FC8]  }
0x91: {  	s18 =	sld [smem:$0x3FD0];
	(tm) =	ssettm $0x1  }
0x92: {  	s4 =	sld [smem:$0x3FFB];
	_ =	sdelay $0x3  }
0x93: {  	_ =	strace s4  }
0x94: {  	s4 =	sld [smem:$0x3FFC];
	_ =	sdelay $0x3  }
0x95: {  	_ =	strace s4  }
0x96: {  	s4 =	sld [smem:$0x3FFD];
	_ =	sdelay $0x3  }
0x97: {  	_ =	strace s4  }
0x98: {  	_ =	strace $0x8FFFFFFF  }
0x99: {  	s19 =	sld [smem:$0x3FDB];
	_ =	sdelay $0x1  }
0x9a: {  	s5 =	simm.s32 $_scs_section_size  }
0x9b: {  	s6 =	simm.s32 $_size__tile_overlayer_lowered;
	s7 =	simm.s32 $_tile_overlayer_lowered  }
0x9c: {  	s22 =	simm.s32 $0x1BFF;
	s21 =	sshll.u32 s7, $0x1;
	s4 =	sadd.s32 s5, s19  }
0x9d: {  	s8 =	simm.s32 $0x0;
	s20 =	sshll.u32 s6, $0x1;
	s6 =	sadd.s32 s21, s4  }
0x9e: {  	[timem:s8], [sflag:s22] =	dma.local [hbm:s6], s20  }
0x9f: {  	_ =	swait.ge [sflag:s22], s20  }
0xa0: {  	s5 =	ssub.s32 $0x0, s20;
	[sflag:s22] =	ssyncset.done $0x0  }
0xa1: {  	[sflag:s22] =	ssyncadd.s32 s5;
	_ =	sdelay $0x1  }
0xa2: {  	s23 =	simm.s32 $0x1B8B  }
0xa3: {  	_ =	swait.ge [sflag:s23], $0x1  }
0xa4: {  	[sflag:s23] =	ssyncset.done $0x0  }
0xa5: {  	s25 =	simm.s32 $0x1B8E;
	s24 =	sld [smem:$0x3FFE];
	[sflag:s23] =	ssyncadd.s32 $0xFFFFFFFF  }
0xa6: {  	s26 =	simm.s32 $execute0_lowered;
	[smem:$0x3FD2] =	sst s25  }
0xa7: {  	s6 =	sshll.u32 s26, $0x1;
	_ =	strace $0x80000046;
	[dreg:$0x1] =	wrdreg $0xFFFFFFFF  }
0xa8: {  	s28 =	simm.s32 $_size_execute0_lowered;
	s4 =	sadd.s32 s4, s6;
	[dreg:$0x0] =	wrdreg $0x0  }
0xa9: {  	s6 =	sshll.u32 s28, $0x1;
	[dreg:$0x2] =	wrdreg s4  }
0xaa: {  	[dreg:$0x3] =	wrdreg s6  }
0xab: {  	[dreg:$0x4] =	wrdreg $0xC0  }
0xac: {  	_ =	task [dreg:s8], $0x5FFFF  }
0xad: {  	[dreg:$0x1] =	wrdreg $0xFFFFFFFF  }
0xae: {  	[dreg:$0x0] =	wrdreg $0x60  }
0xaf: {  	[dreg:$0x2] =	wrdreg s2  }
0xb0: {  	[dreg:$0x3] =	wrdreg s24  }
0xb1: {  	[dreg:$0x4] =	wrdreg s18  }
0xb2: {  	[dreg:$0x5] =	wrdreg $0x9  }
0xb3: {  	_ =	task.clear_ibuf [dreg:s8], $0x6FFFF;
	_ =	strace $0x90000046  }
0xb4: {  	s29 =	simm.s32 $0x9;
	_ =	strace $0x80000048  }
0xb5: {  	_ =	swait.ge [sflag:s29], $0x1  }
0xb6: {  	[sflag:s29] =	ssyncadd.s32 $0xFFFFFFFF  }
0xb7: {  	_ =	strace $0x90000048  }
0xb8: {  	_ =	sfence  }
0xb9: {  	s30 =	sld [smem:$0x0];
	_ =	sdelay $0x2  }
0xba: {  	s31 =	sshll.u32 s1, $0xD;
	s1 =	sshrl.u32 s1, $0x2  }
0xbb: {  	s3 =	sand.u32 $0x4000, s31;
	s1 =	sadd.s32 s1, s30  }
0xbc: {  	s0 =	sor.u32 s3, s0;
	s1 =	sshll.u32 s1, $0x11  }
0xbd: {  	s0 =	sor.u32 s1, s0  }
0xbe: {  	s0 =	sadd.s32 $0x8F2B, s0  }
0xbf: {  	[sflag:s0] =	ssyncadd.remote.s32 $0x1  }
0xc0: {  	_ =	sfence.sel $0xFFFF  }
0xc1: {  	[dreg:$0x0] =	wrdreg $0xFFFFFFFF;
	(pc) =	sbr.abs _section_cstart, $3  }
0xc2: {  	[dreg:$0x1] =	wrdreg $0xFFFFFFFF  }
0xc3: {  	_ =	task.clear_ibuf [dreg:s8], $0x2FFFF;
	_ =	strace $0x9FFFFFFF  }
0xc4: {  	(tm) =	ssettm $0x7FFFFFFF  }
0xc5: {  	_ =	shalt  }
tec
execute0_lowered:
.L_overlay_start_1:
0x0: {  	(tag) =	ssettag $0x1  }
0x1: {  	s1 =	rddreg [dreg:$0x0]  }
0x2: {  	s4 =	rddreg [dreg:$0x1];
	s2 =	srdreg.scid  }
0x3: {  	s0 =	stileid.u32;
	s9 =	rddreg [dreg:$0x2]  }
0x4: {  	s3 =	simm.s32 $0x0;
	s14 =	simm.s32 $0x1;
	s8 =	smul.u32 $0xC8000, s0  }
0x5: {  	s15 =	simm.s32 $0x2;
	s6 =	sand.u32 $0x1, s2;
	s11 =	smul.u32 $0x640000, s0  }
0x6: {  	s16 =	simm.s32 $0x0;
	s5 =	sshll.u32 s0, $0x1;
	s12 =	smul.u32 $0x320000, s6  }
0x7: {  	[smem:$0x7FF] =	sst s3;
	s5 =	sor.u32 s6, s5;
	s13 =	smul.u32 $0x64000, s6  }
0x8: {  	s2 =	rddreg [dreg:$0x3];
	_ =	strace $0x80000047;
	s7 =	smul.u32 $0xC80, s5  }
0x9: {  	s29 =	ssub.s32 $0x2, s6;
	s5 =	smul.u32 $0x320000, s5;
	s8 =	sadd.s32 s8, s9  }
0xa: {  	s10 =	sshrl.u32 s29, $0x1;
	s31 =	sadd.s32 s12, s11;
	s8 =	sadd.s32 s13, s8  }
0xb: {  	s11 =	simm.s32 $0x80;
	s12 =	simm.s32 $0x6400;
	s13 =	simm.s32 $0xA400  }
0xc: {  	s4 =	sadd.s32 s7, s4;
	s5 =	sshrl.u32 s5, $0x3;
	s7 =	ssub.s32 s29, s10  }
0xd: {  	s10 =	sshrl.u32 s31, $0x3;
	s8 =	sadd.s32 $0x800, s8;
	s30 =	sadd.s32 s9, s5  }
0xe: {  	s4 =	sadd.s32 $0x400, s4;
	s7 =	smax.u32 s7, $0x1;
	s9 =	sadd.s32 s10, s9  }
0xf: {  	s10 =	simm.s32 $0x3;
	s5 =	sadd.s32 $0x63000, s30;
	s6 =	sadd.s32 $0x63800, s30  }
.LBB2_1:
0x10: {  	[tilespmem:s3], [sflag:$0x3] =	stream.linear.gather [hbm4b:s4+s3], $0x6400, $0x38;
	[tilespmem:$0xE400] =	vst v63  }
0x11: {  	_ =	swait.ge [sflag:s10], $0x6400  }
0x12: {  	[sflag:s10] =	ssyncset.done $0x0  }
0x13: {  	[sflag:s10] =	ssyncadd.s32 $0xFFFF9C00  }
0x14: {  	[tilespmem:s12], [sflag:$0x1] =	stream.indirect.gather [hbm4b:s1+s11], $0x80, s3, s11, $0xb8;
	[tilespmem:$0xE400] =	vst v63  }
0x15: {  	_ = 	snop  }
0x16: {  	[tilespmem:s13], [sflag:$0x2] =	stream.indirect.gather [hbm4b:s1+s11], $0x80, s11, s11, $0xb8;
	[tilespmem:$0xE400] =	vst v63  }
0x17: {  	_ =	swait.ge [sflag:s14], $0x4000  }
0x18: {  	[sflag:s14] =	ssyncset.done $0x0  }
0x19: {  	s17 =	sadd.s32 $0x0, s9;
	[sflag:s14] =	ssyncadd.s32 $0xFFFFC000  }
0x1a: {  	[hbm4b:s17+s3] =	stream.linear.scatter [tilespmem:s12], [sflag:$0x3], $0x4000, $0x38;
	[tilespmem:$0xE400] =	vst v63  }
0x1b: {  	_ =	swait.ge [sflag:s10], $0x4000  }
0x1c: {  	[sflag:s10] =	ssyncset.done $0x0  }
0x1d: {  	s30 =	simm.s32 $0x100;
	[sflag:s10] =	ssyncadd.s32 $0xFFFFC000  }
0x1e: {  	[tilespmem:s12], [sflag:$0x1] =	stream.indirect.gather [hbm4b:s1+s11], $0x80, s30, s11, $0xb8;
	[tilespmem:$0xE400] =	vst v63  }
0x1f: {  	_ =	swait.ge [sflag:s15], $0x4000  }
0x20: {  	[sflag:s15] =	ssyncset.done $0x0  }
0x21: {  	s31 =	sadd.s32 $0x0, s8;
	[sflag:s15] =	ssyncadd.s32 $0xFFFFC000  }
0x22: {  	[hbm4b:s31+s3] =	stream.linear.scatter [tilespmem:s13], [sflag:$0x3], $0x4000, $0x38;
	[tilespmem:$0xE400] =	vst v63  }
0x23: {  	_ =	swait.ge [sflag:s10], $0x4000  }
0x24: {  	s18 =	simm.s32 $0x1000;
	[sflag:s10] =	ssyncset.done $0x0  }
0x25: {  	s19 =	simm.s32 $0x280;
	s17 =	simm.s32 $0x180;
	[sflag:s10] =	ssyncadd.s32 $0xFFFFC000  }
.LBB2_2:
0x26: {  	[tilespmem:s13], [sflag:$0x2] =	stream.indirect.gather [hbm4b:s1+s11], $0x80, s17, s11, $0xb8;
	[tilespmem:$0xE400] =	vst v63  }
0x27: {  	s20 =	smov.u32 s18;
	s17 =	smov.u32 s19  }
0x28: {  	p0 =	sne.s32 s18, $0x62000;
	s18 =	sadd.s32 $0x1000, s18;
	_ =	swait.ge [sflag:s14], $0x4000  }
0x29: {  	[sflag:s14] =	ssyncset.done $0x0  }
0x2a: {  	s21 =	sadd.s32 s20, s9;
	[sflag:s14] =	ssyncadd.s32 $0xFFFFC000  }
0x2b: {  	[hbm4b:s21+s3] =	stream.linear.scatter [tilespmem:s12], [sflag:$0x3], $0x4000, $0x38;
	[tilespmem:$0xE400] =	vst v63  }
0x2c: {  	_ =	swait.ge [sflag:s10], $0x4000  }
0x2d: {  	[sflag:s10] =	ssyncset.done $0x0  }
0x2e: {  	s21 =	sadd.s32 $0xFFFFFF80, s19;
	[sflag:s10] =	ssyncadd.s32 $0xFFFFC000  }
0x2f: {  	[tilespmem:s12], [sflag:$0x1] =	stream.indirect.gather [hbm4b:s1+s11], $0x80, s21, s11, $0xb8;
	[tilespmem:$0xE400] =	vst v63  }
0x30: {  	_ =	swait.ge [sflag:s15], $0x4000  }
0x31: {  	[sflag:s15] =	ssyncset.done $0x0  }
.Ltmp0:
0x32: {  	s20 =	sadd.s32 s20, s8;
	[sflag:s15] =	ssyncadd.s32 $0xFFFFC000;
	(pc) =	sbr.rel @p0 .LBB2_2-.Ltmp0, $4  }
0x33: {  	[hbm4b:s20+s3] =	stream.linear.scatter [tilespmem:s13], [sflag:$0x3], $0x4000, $0x38;
	[tilespmem:$0xE400] =	vst v63  }
0x34: {  	_ =	swait.ge [sflag:s10], $0x4000  }
0x35: {  	[sflag:s10] =	ssyncset.done $0x0  }
0x36: {  	s19 =	sadd.s32 $0x100, s19;
	[sflag:s10] =	ssyncadd.s32 $0xFFFFC000  }
0x37: {  	[tilespmem:s13], [sflag:$0x2] =	stream.indirect.gather [hbm4b:s1+s11], $0x80, s17, s11, $0xb8;
	[tilespmem:$0xE400] =	vst v63  }
0x38: {  	_ =	swait.ge [sflag:s14], $0x4000  }
0x39: {  	[sflag:s14] =	ssyncset.done $0x0  }
0x3a: {  	[sflag:s14] =	ssyncadd.s32 $0xFFFFC000  }
0x3b: {  	[hbm4b:s5+s3] =	stream.linear.scatter [tilespmem:s12], [sflag:$0x3], $0x4000, $0x38;
	[tilespmem:$0xE400] =	vst v63  }
0x3c: {  	_ =	swait.ge [sflag:s10], $0x4000  }
0x3d: {  	[sflag:s10] =	ssyncset.done $0x0  }
0x3e: {  	[sflag:s10] =	ssyncadd.s32 $0xFFFFC000  }
0x3f: {  	s16 =	sadd.s32 $0x1, s16;
	_ =	swait.ge [sflag:s15], $0x4000  }
0x40: {  	p0 =	sne.s32 s16, s7;
	[sflag:s15] =	ssyncset.done $0x0  }
.Ltmp1:
0x41: {  	[sflag:s15] =	ssyncadd.s32 $0xFFFFC000;
	(pc) =	sbr.rel @p0 .LBB2_1-.Ltmp1, $4  }
0x42: {  	[hbm4b:s6+s3] =	stream.linear.scatter [tilespmem:s13], [sflag:$0x3], $0x4000, $0x38;
	[tilespmem:$0xE400] =	vst v63  }
0x43: {  	_ =	swait.ge [sflag:s10], $0x4000  }
0x44: {  	[sflag:s10] =	ssyncset.done $0x0  }
0x45: {  	[sflag:s10] =	ssyncadd.s32 $0xFFFFC000  }
0x46: {  	_ =	sfence.sel $0x180000  }
0x47: {  	[bflag:$0x0] =	sbarrier.arrive $0xFFFF  }
0x48: {  	p0 =	sne.s32 s0, $0x0;
	_ =	strace $0x90000047  }
0x49: {  	s0 =	sadd.s32 @!p0 $0x100000, s2;
	[bflag:$0x2] =	sbarrier.arrive $0xFFFF  }
0x4a: {  	[sflag:s0] =	ssyncadd.tile.s32 @!p0 $0x1;
	_ =	shalt  }
.Lfunc_end2:
_tile_overlayer_lowered:
.L_overlay_start_2:
0x4b: {  	(tag) =	ssettag $0x2  }
0x4c: {  	s0 =	rddreg [dreg:$0x0];
	s2 =	stileid.u32  }
0x4d: {  	s1 =	rddreg [dreg:$0x1];
	p0 =	sne.s32 s2, $0x0  }
0x4e: {  	s3 =	rddreg [dreg:$0x2];
	[bflag:$0x3] =	sbarrier.arrive $0xFFFF;
	s2 =	simm.s32 @!p0 $0x1C03  }
0x4f: {  	[timem:s3], [sflag:s2] =	dma.local @!p0 [hbm:s0], s1  }
0x50: {  	s0 =	simm.s32 @!p0 $0x3  }
0x51: {  	_ =	swait.ge @!p0 [sflag:s0], s1  }
0x52: {  	s1 =	ssub.s32 @!p0 $0x0, s1;
	[sflag:s0] =	ssyncset.done @!p0 $0x0  }
0x53: {  	[sflag:s0] =	ssyncadd.s32 @!p0 s1  }
0x54: {  	[bflag:$0x3] =	sbarrier.arrive $0xFFFF  }
0x55: {  	_ =	shalt  }

</sc_bundles>
